<compile_context>
chip_gen: v7x
topology: tpu7x:2x2x1
jax: 0.10.2.dev20260603
libtpu: 0.0.44.dev20260713+nightly
codegen_flags: <defaults>
</compile_context>

<pallas_src>
import functools

import jax
import jax.numpy as jnp
from jax import lax
from jax.experimental import pallas as pl
from jax.experimental.pallas import tpu as pltpu
from jax.experimental.pallas import tpu_sc as plsc

_K = 1024
_D = 256
_ROWS = 4096

_NC = 2
_NS = 16
_NW = _NC * _NS


def _tc_body(x_ref, f2_ref, e2_ref, iota_ref, emb_ref, tgt_ref, loss_ref):
    i = pl.program_id(0)
    x = x_ref[...]
    emb = emb_ref[...]
    scores2 = lax.dot_general(
        (x + x), emb, (((1,), (1,)), ((), ())),
        preferred_element_type=jnp.float32)
    t = f2_ref[...] + e2_ref[...] - scores2
    d = jnp.sqrt(jnp.maximum(t, 0.0))
    dmin = jnp.min(d, axis=1, keepdims=True)
    idxf = jnp.min(jnp.where(d == dmin, iota_ref[...], float(2 * _K)),
                   axis=1, keepdims=True)
    tgt_ref[...] = idxf.astype(jnp.int32)
    part = jnp.sum(dmin * dmin).reshape(1, 1)
    @pl.when(i == 0)
    def _():
        loss_ref[...] = part
    @pl.when(i > 0)
    def _():
        loss_ref[...] = loss_ref[...] + part


def _tc_assign(flat, f2, e2, embeddings):
    n = flat.shape[0]
    grid = (n // _ROWS,)
    call = pl.pallas_call(
        _tc_body,
        grid=grid,
        in_specs=[
            pl.BlockSpec((_ROWS, _D), lambda i: (i, 0)),
            pl.BlockSpec((_ROWS, 1), lambda i: (i, 0)),
            pl.BlockSpec((1, _K), lambda i: (0, 0)),
            pl.BlockSpec((1, _K), lambda i: (0, 0)),
            pl.BlockSpec((_K, _D), lambda i: (0, 0)),
        ],
        out_specs=[
            pl.BlockSpec((_ROWS, 1), lambda i: (i, 0)),
            pl.BlockSpec((1, 1), lambda i: (0, 0)),
        ],
        out_shape=[
            jax.ShapeDtypeStruct((n, 1), jnp.int32),
            jax.ShapeDtypeStruct((1, 1), jnp.float32),
        ],
        compiler_params=pltpu.CompilerParams(
            dimension_semantics=("arbitrary",)),
    )
    iota = lax.broadcasted_iota(jnp.float32, (1, _K), 1)
    return call(flat, f2, e2, iota, embeddings)


def _make_sc_gather(n):
    b_per_w = n // _NW
    chunk = 256
    mesh = plsc.VectorSubcoreMesh(core_axis_name="c", subcore_axis_name="s")

    nchunk = b_per_w // chunk
    nbuf = max(1, min(nchunk, (131071 - b_per_w) // (chunk * _D)))

    @functools.partial(
        pl.kernel, mesh=mesh,
        out_type=jax.ShapeDtypeStruct((n, _D), jnp.float32),
        scratch_types=(
            [pltpu.VMEM((chunk,), jnp.int32) for _ in range(nchunk)]
            + [pltpu.VMEM((chunk, _D), jnp.float32) for _ in range(nbuf)]
            + [pltpu.SemaphoreType.DMA for _ in range(2 * nbuf)]
        ),
    )
    def sc_gather(table_hbm, idx_hbm, out_hbm, *scratch):
        idx_v = scratch[:nchunk]
        rows_v = scratch[nchunk:nchunk + nbuf]
        gsem = scratch[nchunk + nbuf:nchunk + 2 * nbuf]
        ssem = scratch[nchunk + 2 * nbuf:]
        wid = lax.axis_index("s") * _NC + lax.axis_index("c")
        base = wid * b_per_w
        for c in range(nchunk):
            pltpu.sync_copy(idx_hbm.at[pl.ds(base + c * chunk, chunk)],
                            idx_v[c])
        gathers = [None] * nchunk
        stores = [None] * nchunk
        for c in range(nbuf):
            gathers[c] = pltpu.async_copy(
                table_hbm.at[idx_v[c]], rows_v[c], gsem[c])
        for c in range(nchunk):
            b = c % nbuf
            gathers[c].wait()
            stores[c] = pltpu.async_copy(
                rows_v[b], out_hbm.at[pl.ds(base + c * chunk, chunk)],
                ssem[b])
            nxt = c + nbuf
            if nxt < nchunk:
                stores[c].wait()
                gathers[nxt] = pltpu.async_copy(
                    table_hbm.at[idx_v[nxt]], rows_v[b], gsem[b])
        for c in range(max(0, nchunk - nbuf), nchunk):
            stores[c].wait()

    return sc_gather


def kernel(features, embeddings):
    B, T, D = features.shape
    flat = features.reshape(-1, D)
    n = flat.shape[0]
    f2 = jnp.sum(flat * flat, axis=1, keepdims=True)
    e2 = jnp.sum(embeddings * embeddings, axis=1)[None, :]
    tgt, loss_sum = _tc_assign(flat, f2, e2, embeddings)
    quantized_flat = _make_sc_gather(n)(embeddings, tgt.reshape(n))
    quantized = quantized_flat.reshape(B, T, D)
    targets = tgt.reshape(B, T)
    extra_losses = (0.25 / (n * D)) * loss_sum[0, 0]
    return quantized, targets, extra_losses

# --- scband reference (transcript-rebuilt; emitter-appended) ---
"""Pipeline reference for scband-emavector-quantizer-74801150427612 (READ-ONLY COPY).

The authoritative reference and input builder live on the scoring server;
editing this copy changes nothing except your own understanding.
"""

import jax, jax.numpy as jnp
import numpy as np

CODEBOOK_SIZE = 1024
FEATURE_DIM = 256
COMMIT_W = 0.25


def setup_inputs(seed: int = 0) -> dict:
    key = jax.random.key(seed)
    k1, k2 = jax.random.split(key)
    features = jax.random.normal(k1, (16, 1024, FEATURE_DIM), dtype=jnp.float32)
    # embeddings buffer initialized uniform(-1/K, 1/K) as in the torch module
    embeddings = jax.random.uniform(
        k2, (CODEBOOK_SIZE, FEATURE_DIM),
        minval=-1.0 / CODEBOOK_SIZE, maxval=1.0 / CODEBOOK_SIZE,
        dtype=jnp.float32)
    return {"features": features, "embeddings": embeddings}


def reference(features, embeddings):
    B, T, D = features.shape
    flat = features.reshape(-1, D)
    # torch.cdist (euclidean) via expanded quadratic form
    f2 = jnp.sum(flat * flat, axis=1, keepdims=True)          # (N,1)
    e2 = jnp.sum(embeddings * embeddings, axis=1)[None, :]    # (1,K)
    d2 = jnp.maximum(f2 + e2 - 2.0 * (flat @ embeddings.T), 0.0)
    distances = jnp.sqrt(d2)
    indices = jnp.argmin(distances, axis=1)                   # (N,)
    quantized_flat = jnp.take(embeddings, indices, axis=0)    # embedding gather
    quantized = quantized_flat.reshape(B, T, D)
    # straight-through estimator
    quantized_st = features + jax.lax.stop_gradient(quantized - features)
    # commitment loss: mse(features, quantized.detach())
    commitment_loss = jnp.mean((features - jax.lax.stop_gradient(quantized_st)) ** 2)
    extra_losses = COMMIT_W * commitment_loss
    targets = indices.reshape(B, T)
    return quantized_st, targets, extra_losses

if __name__ == "__main__":
    import jax
    _d = setup_inputs()
    print(jax.jit(kernel)(*tuple(_d.values())))

</pallas_src>

<mosaic_0001>
#map = affine_map<(d0, d1) -> (0, 0)>
#map1 = affine_map<(d0, d1) -> (0)>
module attributes {stable_mosaic.version = 14 : i64} {
  func.func @sc_gather(%arg0: i32, %arg1: i32, %arg2: memref<1024x256xf32, #tpu.memory_space<hbm>>, %arg3: memref<16384xi32, #tpu.memory_space<hbm>>, %arg4: memref<16384x256xf32, #tpu.memory_space<hbm>>, %arg5: memref<256xi32, #tpu.memory_space<vmem>>, %arg6: memref<256xi32, #tpu.memory_space<vmem>>, %arg7: memref<256x256xf32, #tpu.memory_space<vmem>>, %arg8: memref<!tpu.dma_semaphore, #tpu.memory_space<semaphore_mem>>, %arg9: memref<!tpu.dma_semaphore, #tpu.memory_space<semaphore_mem>>) attributes {dimension_semantics = [#tpu.dimension_semantics<core_parallel>, #tpu.dimension_semantics<subcore_parallel>], iteration_bounds = array<i64: 2, 16>, scalar_prefetch = 0 : i64, scratch_operands = 5 : i64, tpu.core_type = #tpu.core_type<sc_vector_subcore>, window_params = [{transform_indices = #map}, {transform_indices = #map1}, {transform_indices = #map}]} {
    %mul3A = arith.constant 2 : i32
    %mul3A_0 = arith.muli %arg1, %mul3A : i32
    %add3A = arith.addi %mul3A_0, %arg0 : i32
    %mul3A_1 = arith.constant 512 : i32
    %mul3A_2 = arith.muli %add3A, %mul3A_1 : i32
    %add3A_3 = arith.constant 0 : i32
    %add3A_4 = arith.addi %mul3A_2, %add3A_3 : i32
    "tpu.region"() ({
      %run_scoped3A = tpu.sem_alloc : memref<!tpu.dma_semaphore, #tpu.memory_space<semaphore_mem>>
      %dma_start3A_37 = tpu.memref_slice %arg3[%add3A_4] : memref<16384xi32, #tpu.memory_space<hbm>> -> memref<256xi32, #tpu.memory_space<hbm>>
      %dma_start3A_38 = tpu.memref_slice %arg3[%add3A_4] : memref<16384xi32, #tpu.memory_space<hbm>> -> memref<256xi32, #tpu.memory_space<hbm>>
      tpu.enqueue_dma source(%dma_start3A_38 : memref<256xi32, #tpu.memory_space<hbm>>) target(%arg5 : memref<256xi32, #tpu.memory_space<vmem>>) target_semaphore(%run_scoped3A : memref<!tpu.dma_semaphore, #tpu.memory_space<semaphore_mem>>)
      %dma_wait3A_39 = tpu.memref_slice %arg3[%add3A_4] : memref<16384xi32, #tpu.memory_space<hbm>> -> memref<256xi32, #tpu.memory_space<hbm>>
      %dma_wait3A_40 = tpu.memref_slice %arg3[%add3A_4] : memref<16384xi32, #tpu.memory_space<hbm>> -> memref<256xi32, #tpu.memory_space<hbm>>
      tpu.wait_dma2 semaphore(%run_scoped3A : memref<!tpu.dma_semaphore, #tpu.memory_space<semaphore_mem>>) src(%dma_wait3A_40 : memref<256xi32, #tpu.memory_space<hbm>>) dst(%arg5 : memref<256xi32, #tpu.memory_space<vmem>>)
      tpu.yield
    }) : () -> ()
    %add3A_5 = arith.constant 256 : i32
    %add3A_6 = arith.addi %mul3A_2, %add3A_5 : i32
    "tpu.region"() ({
      %run_scoped3A = tpu.sem_alloc : memref<!tpu.dma_semaphore, #tpu.memory_space<semaphore_mem>>
      %dma_start3A_37 = tpu.memref_slice %arg3[%add3A_6] : memref<16384xi32, #tpu.memory_space<hbm>> -> memref<256xi32, #tpu.memory_space<hbm>>
      %dma_start3A_38 = tpu.memref_slice %arg3[%add3A_6] : memref<16384xi32, #tpu.memory_space<hbm>> -> memref<256xi32, #tpu.memory_space<hbm>>
      tpu.enqueue_dma source(%dma_start3A_38 : memref<256xi32, #tpu.memory_space<hbm>>) target(%arg6 : memref<256xi32, #tpu.memory_space<vmem>>) target_semaphore(%run_scoped3A : memref<!tpu.dma_semaphore, #tpu.memory_space<semaphore_mem>>)
      %dma_wait3A_39 = tpu.memref_slice %arg3[%add3A_6] : memref<16384xi32, #tpu.memory_space<hbm>> -> memref<256xi32, #tpu.memory_space<hbm>>
      %dma_wait3A_40 = tpu.memref_slice %arg3[%add3A_6] : memref<16384xi32, #tpu.memory_space<hbm>> -> memref<256xi32, #tpu.memory_space<hbm>>
      tpu.wait_dma2 semaphore(%run_scoped3A : memref<!tpu.dma_semaphore, #tpu.memory_space<semaphore_mem>>) src(%dma_wait3A_40 : memref<256xi32, #tpu.memory_space<hbm>>) dst(%arg6 : memref<256xi32, #tpu.memory_space<vmem>>)
      tpu.yield
    }) : () -> ()
    %dma_start3A = arith.constant 0 : i32
    %dma_start3A_7 = arith.constant 0 : i32
    %dma_start3A_8 = tpu.memref_slice %arg2[%dma_start3A, %dma_start3A_7] : memref<1024x256xf32, #tpu.memory_space<hbm>> -> memref<1024x256xf32, #tpu.memory_space<hbm>>
    tpu.enqueue_indirect_dma source(%dma_start3A_8 : memref<1024x256xf32, #tpu.memory_space<hbm>>) target(%arg7 : memref<256x256xf32, #tpu.memory_space<vmem>>) offsets(%arg5 : memref<256xi32, #tpu.memory_space<vmem>>) semaphore(%arg8 : memref<!tpu.dma_semaphore, #tpu.memory_space<semaphore_mem>>)
    %dma_wait3A = arith.constant 0 : i32
    %dma_wait3A_9 = arith.constant 0 : i32
    %dma_wait3A_10 = tpu.memref_slice %arg2[%dma_wait3A, %dma_wait3A_9] : memref<1024x256xf32, #tpu.memory_space<hbm>> -> memref<1024x256xf32, #tpu.memory_space<hbm>>
    tpu.wait_indirect_dma semaphore(%arg8 : memref<!tpu.dma_semaphore, #tpu.memory_space<semaphore_mem>>) src(%dma_wait3A_10 : memref<1024x256xf32, #tpu.memory_space<hbm>>) dst(%arg7 : memref<256x256xf32, #tpu.memory_space<vmem>>)
    %add3A_11 = arith.constant 0 : i32
    %add3A_12 = arith.addi %mul3A_2, %add3A_11 : i32
    %dma_start3A_13 = arith.constant 0 : i32
    %dma_start3A_14 = tpu.memref_slice %arg4[%add3A_12, %dma_start3A_13] : memref<16384x256xf32, #tpu.memory_space<hbm>> -> memref<256x256xf32, #tpu.memory_space<hbm>>
    %dma_start3A_15 = arith.constant 0 : i32
    %dma_start3A_16 = tpu.memref_slice %arg4[%add3A_12, %dma_start3A_15] : memref<16384x256xf32, #tpu.memory_space<hbm>> -> memref<256x256xf32, #tpu.memory_space<hbm>>
    tpu.enqueue_dma source(%arg7 : memref<256x256xf32, #tpu.memory_space<vmem>>) target(%dma_start3A_16 : memref<256x256xf32, #tpu.memory_space<hbm>>) target_semaphore(%arg9 : memref<!tpu.dma_semaphore, #tpu.memory_space<semaphore_mem>>)
    %dma_wait3A_17 = arith.constant 0 : i32
    %dma_wait3A_18 = tpu.memref_slice %arg4[%add3A_12, %dma_wait3A_17] : memref<16384x256xf32, #tpu.memory_space<hbm>> -> memref<256x256xf32, #tpu.memory_space<hbm>>
    %dma_wait3A_19 = arith.constant 0 : i32
    %dma_wait3A_20 = tpu.memref_slice %arg4[%add3A_12, %dma_wait3A_19] : memref<16384x256xf32, #tpu.memory_space<hbm>> -> memref<256x256xf32, #tpu.memory_space<hbm>>
    tpu.wait_dma2 semaphore(%arg9 : memref<!tpu.dma_semaphore, #tpu.memory_space<semaphore_mem>>) src(%arg7 : memref<256x256xf32, #tpu.memory_space<vmem>>) dst(%dma_wait3A_20 : memref<256x256xf32, #tpu.memory_space<hbm>>)
    %dma_start3A_21 = arith.constant 0 : i32
    %dma_start3A_22 = arith.constant 0 : i32
    %dma_start3A_23 = tpu.memref_slice %arg2[%dma_start3A_21, %dma_start3A_22] : memref<1024x256xf32, #tpu.memory_space<hbm>> -> memref<1024x256xf32, #tpu.memory_space<hbm>>
    tpu.enqueue_indirect_dma source(%dma_start3A_23 : memref<1024x256xf32, #tpu.memory_space<hbm>>) target(%arg7 : memref<256x256xf32, #tpu.memory_space<vmem>>) offsets(%arg6 : memref<256xi32, #tpu.memory_space<vmem>>) semaphore(%arg8 : memref<!tpu.dma_semaphore, #tpu.memory_space<semaphore_mem>>)
    %dma_wait3A_24 = arith.constant 0 : i32
    %dma_wait3A_25 = arith.constant 0 : i32
    %dma_wait3A_26 = tpu.memref_slice %arg2[%dma_wait3A_24, %dma_wait3A_25] : memref<1024x256xf32, #tpu.memory_space<hbm>> -> memref<1024x256xf32, #tpu.memory_space<hbm>>
    tpu.wait_indirect_dma semaphore(%arg8 : memref<!tpu.dma_semaphore, #tpu.memory_space<semaphore_mem>>) src(%dma_wait3A_26 : memref<1024x256xf32, #tpu.memory_space<hbm>>) dst(%arg7 : memref<256x256xf32, #tpu.memory_space<vmem>>)
    %add3A_27 = arith.constant 256 : i32
    %add3A_28 = arith.addi %mul3A_2, %add3A_27 : i32
    %dma_start3A_29 = arith.constant 0 : i32
    %dma_start3A_30 = tpu.memref_slice %arg4[%add3A_28, %dma_start3A_29] : memref<16384x256xf32, #tpu.memory_space<hbm>> -> memref<256x256xf32, #tpu.memory_space<hbm>>
    %dma_start3A_31 = arith.constant 0 : i32
    %dma_start3A_32 = tpu.memref_slice %arg4[%add3A_28, %dma_start3A_31] : memref<16384x256xf32, #tpu.memory_space<hbm>> -> memref<256x256xf32, #tpu.memory_space<hbm>>
    tpu.enqueue_dma source(%arg7 : memref<256x256xf32, #tpu.memory_space<vmem>>) target(%dma_start3A_32 : memref<256x256xf32, #tpu.memory_space<hbm>>) target_semaphore(%arg9 : memref<!tpu.dma_semaphore, #tpu.memory_space<semaphore_mem>>)
    %dma_wait3A_33 = arith.constant 0 : i32
    %dma_wait3A_34 = tpu.memref_slice %arg4[%add3A_28, %dma_wait3A_33] : memref<16384x256xf32, #tpu.memory_space<hbm>> -> memref<256x256xf32, #tpu.memory_space<hbm>>
    %dma_wait3A_35 = arith.constant 0 : i32
    %dma_wait3A_36 = tpu.memref_slice %arg4[%add3A_28, %dma_wait3A_35] : memref<16384x256xf32, #tpu.memory_space<hbm>> -> memref<256x256xf32, #tpu.memory_space<hbm>>
    tpu.wait_dma2 semaphore(%arg9 : memref<!tpu.dma_semaphore, #tpu.memory_space<semaphore_mem>>) src(%arg7 : memref<256x256xf32, #tpu.memory_space<vmem>>) dst(%dma_wait3A_36 : memref<256x256xf32, #tpu.memory_space<hbm>>)
    return
  }
}

module attributes {stable_mosaic.version = 14 : i64} {
  func.func @_tc_body(%arg0: i32, %arg1: memref<4096x256xf32, #tpu.memory_space<vmem>>, %arg2: memref<4096x1xf32, #tpu.memory_space<vmem>>, %arg3: memref<1x1024xf32, #tpu.memory_space<vmem>>, %arg4: memref<1x1024xf32, #tpu.memory_space<vmem>>, %arg5: memref<1024x256xf32, #tpu.memory_space<vmem>>, %arg6: memref<4096x1xi32, #tpu.memory_space<vmem>>, %arg7: memref<1x1xf32, #tpu.memory_space<vmem>>) attributes {dimension_semantics = [#tpu.dimension_semantics<arbitrary>], iteration_bounds = array<i64: 4>, scalar_prefetch = 0 : i64, scratch_operands = 0 : i64, tpu.core_type = #tpu.core_type<tc>, window_params = [{transform_indices = @transform_0, window_bounds = array<i64: 4096, 256>}, {transform_indices = @transform_1, window_bounds = array<i64: 4096, 1>}, {pipeline_mode = #tpu.pipeline_mode<synchronous>, transform_indices = @transform_2, window_bounds = array<i64: 1, 1024>}, {pipeline_mode = #tpu.pipeline_mode<synchronous>, transform_indices = @transform_3, window_bounds = array<i64: 1, 1024>}, {pipeline_mode = #tpu.pipeline_mode<synchronous>, transform_indices = @transform_4, window_bounds = array<i64: 1024, 256>}, {transform_indices = @transform_5, window_bounds = array<i64: 4096, 1>}, {pipeline_mode = #tpu.pipeline_mode<synchronous>, transform_indices = @transform_6, window_bounds = array<i64: 1, 1>}]} {
    %get3A = arith.constant 0 : index
    %get3A_0 = arith.constant 0 : index
    %get3A_1 = vector.load %arg1[%get3A, %get3A_0] : memref<4096x256xf32, #tpu.memory_space<vmem>>, vector<4096x256xf32>
    %get3A_2 = arith.constant 0 : index
    %get3A_3 = arith.constant 0 : index
    %get3A_4 = vector.load %arg5[%get3A_2, %get3A_3] : memref<1024x256xf32, #tpu.memory_space<vmem>>, vector<1024x256xf32>
    %add3A = arith.addf %get3A_1, %get3A_1 : vector<4096x256xf32>
    %dot_general3A = arith.constant dense<0.000000e+00> : vector<4096x1024xf32>
    %dot_general3A_5 = tpu.matmul %add3A, %get3A_4, %dot_general3A {dimension_numbers = #tpu.dot_dimension_numbers<[1], [1], [0], [0], [0, 0, 1, 0], [], []>, transpose_lhs_hint = false} : vector<4096x256xf32>, vector<1024x256xf32>, vector<4096x1024xf32> -> vector<4096x1024xf32>
    %get3A_6 = arith.constant 0 : index
    %get3A_7 = arith.constant 0 : index
    %get3A_8 = vector.load %arg2[%get3A_6, %get3A_7] : memref<4096x1xf32, #tpu.memory_space<vmem>>, vector<4096x1xf32>
    %get3A_9 = arith.constant 0 : index
    %get3A_10 = arith.constant 0 : index
    %get3A_11 = vector.load %arg3[%get3A_9, %get3A_10] : memref<1x1024xf32, #tpu.memory_space<vmem>>, vector<1x1024xf32>
    %add3A_12 = vector.broadcast %get3A_8 : vector<4096x1xf32> to vector<4096x1024xf32>
    %add3A_13 = vector.broadcast %get3A_11 : vector<1x1024xf32> to vector<4096x1024xf32>
    %add3A_14 = arith.addf %add3A_12, %add3A_13 : vector<4096x1024xf32>
    %sub3A = arith.subf %add3A_14, %dot_general3A_5 : vector<4096x1024xf32>
    %max3A = arith.constant 0.000000e+00 : f32
    %max3A_15 = vector.broadcast %max3A : f32 to vector<4096x1024xf32>
    %max3A_16 = arith.maximumf %sub3A, %max3A_15 : vector<4096x1024xf32>
    %sqrt3A = math.sqrt %max3A_16 : vector<4096x1024xf32>
    %reduce_min3A = arith.constant dense<0x7F800000> : vector<4096xf32>
    %reduce_min3A_17 = vector.multi_reduction <minimumf>, %sqrt3A, %reduce_min3A [1] : vector<4096x1024xf32> to vector<4096xf32>
    %broadcast_in_dim3A = vector.shape_cast %reduce_min3A_17 : vector<4096xf32> to vector<4096x1xf32>
    %eq3A = vector.broadcast %broadcast_in_dim3A : vector<4096x1xf32> to vector<4096x1024xf32>
    %eq3A_18 = arith.cmpf oeq, %sqrt3A, %eq3A : vector<4096x1024xf32>
    %get3A_19 = arith.constant 0 : index
    %get3A_20 = arith.constant 0 : index
    %get3A_21 = vector.load %arg4[%get3A_19, %get3A_20] : memref<1x1024xf32, #tpu.memory_space<vmem>>, vector<1x1024xf32>
    %jit3A = arith.constant 2.048000e+03 : f32
    %broadcast_in_dim3A_22 = vector.shape_cast %get3A_21 : vector<1x1024xf32> to vector<1x1024xf32>
    %broadcast_in_dim3A_23 = vector.broadcast %broadcast_in_dim3A_22 : vector<1x1024xf32> to vector<4096x1024xf32>
    %broadcast_in_dim3A_24 = vector.broadcast %jit3A : f32 to vector<4096x1024xf32>
    %select_n3A = arith.select %eq3A_18, %broadcast_in_dim3A_23, %broadcast_in_dim3A_24 : vector<4096x1024xi1>, vector<4096x1024xf32>
    %reduce_min3A_25 = arith.constant dense<0x7F800000> : vector<4096xf32>
    %reduce_min3A_26 = vector.multi_reduction <minimumf>, %select_n3A, %reduce_min3A_25 [1] : vector<4096x1024xf32> to vector<4096xf32>
    %broadcast_in_dim3A_27 = vector.shape_cast %reduce_min3A_26 : vector<4096xf32> to vector<4096x1xf32>
    %convert_element_type3A = arith.fptosi %broadcast_in_dim3A_27 : vector<4096x1xf32> to vector<4096x1xi32>
    %swap3A = arith.constant 0 : index
    %swap3A_28 = arith.constant 0 : index
    %swap3A_29 = vector.load %arg6[%swap3A, %swap3A_28] : memref<4096x1xi32, #tpu.memory_space<vmem>>, vector<4096x1xi32>
    tpu.vector_store %arg6[%swap3A, %swap3A_28], %convert_element_type3A {strides = array<i32>} : memref<4096x1xi32, #tpu.memory_space<vmem>>, vector<4096x1xi32>,
    %mul3A = arith.mulf %broadcast_in_dim3A, %broadcast_in_dim3A : vector<4096x1xf32>
    %reduce_sum3A = vector.shape_cast %mul3A : vector<4096x1xf32> to vector<1x4096x1xf32>
    %reduce_sum3A_30 = arith.constant dense<0.000000e+00> : vector<1xf32>
    %reduce_sum3A_31 = vector.multi_reduction <add>, %reduce_sum3A, %reduce_sum3A_30 [1, 2] : vector<1x4096x1xf32> to vector<1xf32>
    %reduce_sum3A_32 = vector.shape_cast %reduce_sum3A_31 : vector<1xf32> to vector<1x1x1xf32>
    %reduce_sum3A_33 = vector.extract %reduce_sum3A_32[0, 0, 0] : f32 from vector<1x1x1xf32>
    %reshape3A = vector.broadcast %reduce_sum3A_33 : f32 to vector<1x1xf32>
    %eq3A_34 = arith.constant 0 : i32
    %eq3A_35 = arith.cmpi eq, %arg0, %eq3A_34 : i32
    %convert_element_type3A_36 = arith.extui %eq3A_35 : i1 to i32
    %cond3A = arith.constant 0 : i32
    %cond3A_37 = arith.cmpi ne, %convert_element_type3A_36, %cond3A : i32
    scf.if %cond3A_37 {
      %swap3A_42 = arith.constant 0 : index
      %swap3A_43 = arith.constant 0 : index
      %swap3A_44 = vector.load %arg7[%swap3A_42, %swap3A_43] : memref<1x1xf32, #tpu.memory_space<vmem>>, vector<1x1xf32>
      tpu.vector_store %arg7[%swap3A_42, %swap3A_43], %reshape3A {strides = array<i32>} : memref<1x1xf32, #tpu.memory_space<vmem>>, vector<1x1xf32>,
    } else {
    }
    %gt3A = arith.constant 0 : i32
    %gt3A_38 = arith.cmpi sgt, %arg0, %gt3A : i32
    %convert_element_type3A_39 = arith.extui %gt3A_38 : i1 to i32
    %cond3A_40 = arith.constant 0 : i32
    %cond3A_41 = arith.cmpi ne, %convert_element_type3A_39, %cond3A_40 : i32
    scf.if %cond3A_41 {
      %get3A_42 = arith.constant 0 : index
      %get3A_43 = arith.constant 0 : index
      %get3A_44 = vector.load %arg7[%get3A_42, %get3A_43] : memref<1x1xf32, #tpu.memory_space<vmem>>, vector<1x1xf32>
      %add3A_45 = arith.addf %get3A_44, %reshape3A : vector<1x1xf32>
      %swap3A_46 = arith.constant 0 : index
      %swap3A_47 = arith.constant 0 : index
      %swap3A_48 = vector.load %arg7[%swap3A_46, %swap3A_47] : memref<1x1xf32, #tpu.memory_space<vmem>>, vector<1x1xf32>
      tpu.vector_store %arg7[%swap3A_46, %swap3A_47], %add3A_45 {strides = array<i32>} : memref<1x1xf32, #tpu.memory_space<vmem>>, vector<1x1xf32>,
    } else {
    }
    return
  }
  func.func @transform_0(%arg0: i32) -> (i32, i32) {
    %c0_i32 = arith.constant 0 : i32
    %c0_i32_0 = arith.constant 0 : i32
    return %arg0, %c0_i32 : i32, i32
  }
  func.func @transform_1(%arg0: i32) -> (i32, i32) {
    %c0_i32 = arith.constant 0 : i32
    %c0_i32_0 = arith.constant 0 : i32
    return %arg0, %c0_i32 : i32, i32
  }
  func.func @transform_2(%arg0: i32) -> (i32, i32) {
    %c0_i32 = arith.constant 0 : i32
    %c0_i32_0 = arith.constant 0 : i32
    %c0_i32_1 = arith.constant 0 : i32
    return %c0_i32, %c0_i32_0 : i32, i32
  }
  func.func @transform_3(%arg0: i32) -> (i32, i32) {
    %c0_i32 = arith.constant 0 : i32
    %c0_i32_0 = arith.constant 0 : i32
    %c0_i32_1 = arith.constant 0 : i32
    return %c0_i32, %c0_i32_0 : i32, i32
  }
  func.func @transform_4(%arg0: i32) -> (i32, i32) {
    %c0_i32 = arith.constant 0 : i32
    %c0_i32_0 = arith.constant 0 : i32
    %c0_i32_1 = arith.constant 0 : i32
    return %c0_i32, %c0_i32_0 : i32, i32
  }
  func.func @transform_5(%arg0: i32) -> (i32, i32) {
    %c0_i32 = arith.constant 0 : i32
    %c0_i32_0 = arith.constant 0 : i32
    return %arg0, %c0_i32 : i32, i32
  }
  func.func @transform_6(%arg0: i32) -> (i32, i32) {
    %c0_i32 = arith.constant 0 : i32
    %c0_i32_0 = arith.constant 0 : i32
    %c0_i32_1 = arith.constant 0 : i32
    return %c0_i32, %c0_i32_0 : i32, i32
  }
}

</mosaic_0001>

<sc_bundles>
// kernel: kernel.4.cloned.1.call-start
scs
__scs_entry_jumppad:
0x0: {  	(pc) =	sbr.rel $0x88, $3  }
0x1: {  	(tag) =	ssettag $0x0;
	lr =	simm.s32 $0x1  }
0x2: {  	[smem:$0x3F9F] =	sst lr;
	_ =	strace $0xD0000000  }
0x3: {  	_ = 	snop  }
0x4: {  	_ = 	snop  }
0x5: {  	_ = 	snop  }
0x6: {  	_ = 	snop  }
0x7: {  	_ = 	snop  }
__scs_overlays_trampoline_lowered:
0x8: {  	[smem:$0x3FAE] =	sst s0  }
0x9: {  	[smem:$0x3FAF] =	sst s1  }
0xa: {  	[smem:$0x3FB0] =	sst s2  }
0xb: {  	[smem:$0x3FB1] =	sst s3  }
0xc: {  	[smem:$0x3FB2] =	sst s4  }
0xd: {  	[smem:$0x3FB3] =	sst s5  }
0xe: {  	[smem:$0x3FB4] =	sst s6  }
0xf: {  	[smem:$0x3FB5] =	sst s7  }
0x10: {  	[smem:$0x3FB6] =	sst s8  }
0x11: {  	[smem:$0x3FB7] =	sst s9;
	s0 =	simm.s32 @!p0 $0x0  }
0x12: {  	s1 =	sld [smem:$0x3F9D];
	s0 =	simm.s32 @p0 $0x1  }
0x13: {  	[smem:$0x3FB8] =	sst s0;
	s0 =	simm.s32 @!p1 $0x0  }
0x14: {  	s2 =	sld [smem:$0x3F9C];
	s0 =	simm.s32 @p1 $0x1  }
0x15: {  	[smem:$0x3FB9] =	sst s0;
	s0 =	simm.s32 @!p2 $0x0  }
0x16: {  	s3 =	sld [smem:$0x3FDB];
	s0 =	simm.s32 @p2 $0x1  }
0x17: {  	s4 =	simm.s32 $0x1BF5;
	[smem:$0x3FBB] =	sst s0  }
0x18: {  	s0 =	sld [smem:$0x3F9E];
	_ =	swait.ge [sflag:s4], $0x0  }
0x19: {  	s7 =	sld [smem:$0x3F9F]  }
0x1a: {  	s8 =	sadd.s32 $0xFFFFE003, lr  }
0x1b: {  	s9 =	sadd.s32 $0xFFFFFEF7, lr;
	s5 =	simm.s32 $0xFFFFFFFF;
	p2 =	slt.u32 s8, $0xFFFFF086  }
0x1c: {  	p1 =	slt.u32 s9, $0xF7A;
	s5 =	simm.s32 @!p2 $0x0  }
0x1d: {  	s5 =	simm.s32 @p1 $0x1;
	p0 =	seq.s32 s7, s2  }
0x1e: {  	s7 =	smul.u32 @!p0 $0xF7A, s2;
	p2 =	seq.s32 @!p0 s5, $0x0  }
0x1f: {  	s9 =	smul.u32 $0xF7A, s1;
	s8 =	simm.s32 @!p0 $0x1BF5;
	p2 =	por !p2, p0  }
0x20: {  	[sflag:s8] =	ssyncset.s32 @!p0 $0xFFFFF086;
	s6 =	sadd.s32 @!p0 s3, s7;
	s7 =	simm.s32 @!p0 $0x108  }
0x21: {  	s3 =	sadd.s32 s3, s9;
	s6 =	sadd.s32 @!p0 $0x88, s6;
	s7 =	simm.s32 @p2 $0x1082  }
0x22: {  	[simem:s7], [sflag:s8] =	dma.local @!p0 [hbm:s6], $0xF7A  }
0x23: {  	s9 =	sor.u32 $0xD0000000, s2;
	s6 =	simm.s32 $0x108;
	_ =	swait.ge @!p0 [sflag:s8], $0x0  }
0x24: {  	s3 =	sadd.s32 $0x88, s3;
	s6 =	simm.s32 @!p1 $0x1082;
	[sflag:s4] =	ssyncset.s32 $0xFFFFF086  }
0x25: {  	[simem:s6], [sflag:s4] =	dma.local [hbm:s3], $0xF7A  }
0x26: {  	[smem:$0x3F9F] =	sst s1;
	(tag) =	ssettag s2;
	_ =	strace s9  }
0x27: {  	s1 =	sld [smem:$0x3FAF]  }
0x28: {  	s2 =	sld [smem:$0x3FB0]  }
0x29: {  	s4 =	sld [smem:$0x3FB2]  }
0x2a: {  	p0 =	seq.s32 s5, $0x0;
	s5 =	sld [smem:$0x3FB3]  }
0x2b: {  	s6 =	sld [smem:$0x3FB4]  }
0x2c: {  	s7 =	sld [smem:$0x3FB5]  }
0x2d: {  	s3 =	simm.s32 $0x108;
	s8 =	sld [smem:$0x3FB6]  }
0x2e: {  	s3 =	simm.s32 @!p0 $0x1082;
	s9 =	sld [smem:$0x3FB7]  }
0x2f: {  	lr =	sadd.s32 s0, s3;
	s0 =	sld [smem:$0x3FAE]  }
0x30: {  	s3 =	sld [smem:$0x3FB1]  }
0x31: {  	[smem:$0x3FBA] =	sst s10  }
0x32: {  	s10 =	sld [smem:$0x3FB8];
	_ =	sdelay $0x3  }
0x33: {  	p0 =	seq.s32 s10, $0x1;
	s10 =	sld [smem:$0x3FBA];
	_ =	sdelay $0x3  }
0x34: {  	[smem:$0x3FBA] =	sst s10  }
0x35: {  	s10 =	sld [smem:$0x3FB9];
	_ =	sdelay $0x3  }
0x36: {  	p1 =	seq.s32 s10, $0x1;
	s10 =	sld [smem:$0x3FBA];
	_ =	sdelay $0x3  }
0x37: {  	[smem:$0x3FBA] =	sst s10  }
0x38: {  	s10 =	sld [smem:$0x3FBB]  }
0x39: {  	_ = 	snop;
	(pc) =	sbr.ind lr, $3  }
0x3a: {  	_ = 	snop  }
0x3b: {  	_ = 	snop  }
0x3c: {  	p2 =	seq.s32 s10, $0x1;
	s10 =	sld [smem:$0x3FBA]  }
0x3d: {  	_ =	shalt  }
0x3e: {  	_ =	shalt  }
0x3f: {  	_ =	shalt  }
0x40: {  	_ =	shalt  }
0x41: {  	_ =	shalt  }
0x42: {  	_ =	shalt  }
0x43: {  	_ =	shalt  }
0x44: {  	_ =	shalt  }
0x45: {  	_ =	shalt  }
0x46: {  	_ =	shalt  }
0x47: {  	_ =	shalt  }
0x48: {  	_ =	shalt  }
0x49: {  	_ =	shalt  }
0x4a: {  	_ =	shalt  }
0x4b: {  	_ =	shalt  }
0x4c: {  	_ =	shalt  }
0x4d: {  	_ =	shalt  }
0x4e: {  	_ =	shalt  }
0x4f: {  	_ =	shalt  }
0x50: {  	_ =	shalt  }
0x51: {  	_ =	shalt  }
0x52: {  	_ =	shalt  }
0x53: {  	_ =	shalt  }
0x54: {  	_ =	shalt  }
0x55: {  	_ =	shalt  }
0x56: {  	_ =	shalt  }
0x57: {  	_ =	shalt  }
0x58: {  	_ =	shalt  }
0x59: {  	_ =	shalt  }
0x5a: {  	_ =	shalt  }
0x5b: {  	_ =	shalt  }
0x5c: {  	_ =	shalt  }
0x5d: {  	_ =	shalt  }
0x5e: {  	_ =	shalt  }
0x5f: {  	_ =	shalt  }
0x60: {  	_ =	shalt  }
0x61: {  	_ =	shalt  }
0x62: {  	_ =	shalt  }
0x63: {  	_ =	shalt  }
0x64: {  	_ =	shalt  }
0x65: {  	_ =	shalt  }
0x66: {  	_ =	shalt  }
0x67: {  	_ =	shalt  }
0x68: {  	_ =	shalt  }
0x69: {  	_ =	shalt  }
0x6a: {  	_ =	shalt  }
0x6b: {  	_ =	shalt  }
0x6c: {  	_ =	shalt  }
0x6d: {  	_ =	shalt  }
0x6e: {  	_ =	shalt  }
0x6f: {  	_ =	shalt  }
0x70: {  	_ =	shalt  }
0x71: {  	_ =	shalt  }
0x72: {  	_ =	shalt  }
0x73: {  	_ =	shalt  }
0x74: {  	_ =	shalt  }
0x75: {  	_ =	shalt  }
0x76: {  	_ =	shalt  }
0x77: {  	_ =	shalt  }
0x78: {  	_ =	shalt  }
0x79: {  	_ =	shalt  }
0x7a: {  	_ =	shalt  }
0x7b: {  	_ =	shalt  }
0x7c: {  	_ =	shalt  }
0x7d: {  	_ =	shalt  }
0x7e: {  	_ =	shalt  }
0x7f: {  	_ =	shalt  }
0x80: {  	_ =	shalt  }
0x81: {  	_ =	shalt  }
0x82: {  	_ =	shalt  }
0x83: {  	_ =	shalt  }
0x84: {  	_ =	shalt  }
0x85: {  	_ =	shalt  }
0x86: {  	_ =	shalt  }
0x87: {  	_ =	shalt  }
.Lfunc_end0:
.L_simem_size_0:
called_computation_lowered:
.L_overlay_start_0:
0x88: {  	s2 =	sld [smem:$0x3FD9]  }
0x89: {  	s3 =	sld [smem:$0x3FFE];
	_ =	sdelay $0x1  }
0x8a: {  	s1 =	srdreg.scid  }
0x8b: {  	s0 =	sand.u32 $0x1, s1  }
0x8c: {  	s14 =	sshll.u32 s0, $0xA;
	s2 =	sadd.s32 s3, s2  }
0x8d: {  	s2 =	sadd.s32 s2, s14  }
0x8e: {  	[smem:$0x3FC6] =	sst s2  }
0x8f: {  	_ = 	snop  }
0x90: {  	s2 =	sld [smem:$0x3FD0];
	_ =	sdelay $0x2  }
0x91: {  	s4 =	simm.s32 $0xA;
	s5 =	simm.s32 $0x10;
	s15 =	sld [smem:$0x3FC8]  }
0x92: {  	[smem:s5], [sflag:s4] =	dma.local [hbm:s2], $0x1  }
0x93: {  	_ =	swait.eq [sflag:s4], $0x1  }
0x94: {  	[sflag:s4] =	ssyncset.done $0x0  }
0x95: {  	[sflag:s4] =	ssyncadd.s32 $0xFFFFFFFF  }
0x96: {  	s16 =	sld [smem:$0x10];
	(tm) =	ssettm $0x1  }
0x97: {  	s17 =	sld [smem:$0x3FFB];
	_ =	sdelay $0x3  }
0x98: {  	_ =	strace s17  }
0x99: {  	s4 =	sld [smem:$0x3FFC];
	_ =	sdelay $0x3  }
0x9a: {  	_ =	strace s4  }
0x9b: {  	s4 =	sld [smem:$0x3FFD];
	_ =	sdelay $0x3  }
0x9c: {  	_ =	strace s4  }
0x9d: {  	_ =	strace $0x8FFFFFFF  }
0x9e: {  	s18 =	sld [smem:$0x3FDB];
	_ =	sdelay $0x1  }
0x9f: {  	s19 =	simm.s32 $_scs_section_size  }
0xa0: {  	s6 =	simm.s32 $_size__tile_overlayer_lowered;
	s7 =	simm.s32 $_tile_overlayer_lowered  }
0xa1: {  	s22 =	simm.s32 $0x1BFF;
	s21 =	sshll.u32 s7, $0x1;
	s4 =	sadd.s32 s19, s18  }
0xa2: {  	s8 =	simm.s32 $0x0;
	s20 =	sshll.u32 s6, $0x1;
	s6 =	sadd.s32 s21, s4  }
0xa3: {  	[timem:s8], [sflag:s22] =	dma.local [hbm:s6], s20  }
0xa4: {  	_ =	swait.ge [sflag:s22], s20  }
0xa5: {  	s5 =	ssub.s32 $0x0, s20;
	[sflag:s22] =	ssyncset.done $0x0  }
0xa6: {  	[sflag:s22] =	ssyncadd.s32 s5;
	_ =	sdelay $0x1  }
0xa7: {  	s23 =	simm.s32 $0x1B8B  }
0xa8: {  	_ =	swait.ge [sflag:s23], $0x1  }
0xa9: {  	[sflag:s23] =	ssyncset.done $0x0  }
0xaa: {  	s25 =	simm.s32 $0x1B8E;
	s24 =	sld [smem:$0x3FFE];
	[sflag:s23] =	ssyncadd.s32 $0xFFFFFFFF  }
0xab: {  	s26 =	simm.s32 $execute0_lowered;
	[smem:$0x3FD2] =	sst s25  }
0xac: {  	s6 =	sshll.u32 s26, $0x1;
	_ =	strace $0x80000046;
	[dreg:$0x1] =	wrdreg $0xFFFFFFFF  }
0xad: {  	s28 =	simm.s32 $_size_execute0_lowered;
	s4 =	sadd.s32 s4, s6;
	[dreg:$0x0] =	wrdreg $0x0  }
0xae: {  	s6 =	sshll.u32 s28, $0x1;
	[dreg:$0x2] =	wrdreg s4  }
0xaf: {  	[dreg:$0x3] =	wrdreg s6  }
0xb0: {  	[dreg:$0x4] =	wrdreg $0xC0  }
0xb1: {  	_ =	task [dreg:s8], $0x5FFFF  }
0xb2: {  	[dreg:$0x1] =	wrdreg $0xFFFFFFFF  }
0xb3: {  	[dreg:$0x0] =	wrdreg $0x60  }
0xb4: {  	[dreg:$0x2] =	wrdreg s15  }
0xb5: {  	[dreg:$0x3] =	wrdreg s24  }
0xb6: {  	[dreg:$0x4] =	wrdreg s16  }
0xb7: {  	[dreg:$0x5] =	wrdreg $0x9  }
0xb8: {  	_ =	task.clear_ibuf [dreg:s8], $0x6FFFF;
	_ =	strace $0x90000046  }
0xb9: {  	s29 =	simm.s32 $0x9;
	_ =	strace $0x80000048  }
0xba: {  	_ =	swait.ge [sflag:s29], $0x1  }
0xbb: {  	[sflag:s29] =	ssyncadd.s32 $0xFFFFFFFF  }
0xbc: {  	_ =	strace $0x90000048  }
0xbd: {  	_ =	sfence  }
0xbe: {  	s30 =	sld [smem:$0x0];
	_ =	sdelay $0x2  }
0xbf: {  	s31 =	sshll.u32 s1, $0xD;
	s1 =	sshrl.u32 s1, $0x2  }
0xc0: {  	s3 =	sand.u32 $0x4000, s31;
	s1 =	sadd.s32 s1, s30  }
0xc1: {  	s0 =	sor.u32 s3, s0;
	s1 =	sshll.u32 s1, $0x11  }
0xc2: {  	s0 =	sor.u32 s1, s0  }
0xc3: {  	s0 =	sadd.s32 $0x8F2B, s0  }
0xc4: {  	[sflag:s0] =	ssyncadd.remote.s32 $0x1  }
0xc5: {  	_ =	sfence.sel $0xFFFF  }
0xc6: {  	[dreg:$0x0] =	wrdreg $0xFFFFFFFF;
	(pc) =	sbr.abs _section_cstart, $3  }
0xc7: {  	[dreg:$0x1] =	wrdreg $0xFFFFFFFF  }
0xc8: {  	_ =	task.clear_ibuf [dreg:s8], $0x2FFFF;
	_ =	strace $0x9FFFFFFF  }
0xc9: {  	(tm) =	ssettm $0x7FFFFFFF  }
tec
execute0_lowered:
.L_overlay_start_1:
0x0: {  	(tag) =	ssettag $0x1  }
0x1: {  	s1 =	rddreg [dreg:$0x0]  }
0x2: {  	s0 =	rddreg [dreg:$0x1]  }
0x3: {  	s2 =	rddreg [dreg:$0x2];
	s4 =	srdreg.scid;
	s3 =	simm.s32 $0x0  }
0x4: {  	s5 =	stileid.u32;
	s26 =	simm.s32 $0x100;
	s12 =	simm.s32 $0x1  }
0x5: {  	s13 =	simm.s32 $0x2;
	s16 =	simm.s32 $0x1200;
	s17 =	simm.s32 $0x1A00  }
0x6: {  	s18 =	simm.s32 $0x2200;
	s19 =	simm.s32 $0x2A00;
	s20 =	simm.s32 $0x3200  }
0x7: {  	s21 =	simm.s32 $0x3A00;
	s22 =	simm.s32 $0x4200;
	s28 =	simm.s32 $0x6A00  }
0x8: {  	s29 =	simm.s32 $0x7200;
	s30 =	simm.s32 $0x7A00;
	s31 =	simm.s32 $0x8200  }
0x9: {  	s10 =	simm.s32 $0xB200;
	s11 =	simm.s32 $0xBA00;
	s4 =	sand.u32 $0x1, s4  }
0xa: {  	[smem:$0x7FF] =	sst s3;
	s5 =	sshll.u32 s5, $0xA;
	s6 =	sshll.u32 s4, $0x9  }
0xb: {  	_ =	strace $0x80000047;
	s4 =	ssub.s32 $0x2, s4;
	[dreg:$0x8] =	wrdreg s26  }
0xc: {  	s26 =	simm.s32 $0x6200;
	s5 =	sor.u32 s6, s5;
	s8 =	sshrl.u32 s4, $0x1  }
0xd: {  	s6 =	sshrl.u32 s5, $0x3;
	s7 =	sor.u32 $0x100, s5;
	s5 =	sshll.u32 s5, $0x5  }
0xe: {  	s4 =	ssub.s32 s4, s8;
	s8 =	simm.s32 $0xA200;
	s6 =	sadd.s32 s0, s6  }
0xf: {  	s9 =	sshrl.u32 s7, $0x3;
	s23 =	sadd.s32 s2, s5;
	s24 =	sshll.u32 s7, $0x5  }
0x10: {  	s4 =	smax.u32 s4, $0x1;
	s7 =	simm.s32 $0x9A00;
	[dreg:$0x4] =	wrdreg s6  }
0x11: {  	s5 =	simm.s32 $0xCA00;
	s0 =	sadd.s32 s0, s9;
	[dreg:$0x6] =	wrdreg s23  }
0x12: {  	v2 =	vlaneseq.u32;
	s25 =	sadd.s32 s2, s24;
	s23 =	simm.s32 $0x4A00;
	s24 =	simm.s32 $0x5200  }
0x13: {  	vm0 =	vmmov $0xffff;
	v1 =	vshrl.u32 v2, $0x3;
	s2 =	simm.s32 $0x9200;
	s9 =	simm.s32 $0xAA00;
	[dreg:$0x5] =	wrdreg s0  }
0x14: {  	v0 =	vand.u32 $0x7, v2;
	v2 =	vor.u32 $0x8, v2;
	v1 =	vmul.u32 $0x8, v1;
	s6 =	simm.s32 $0xC200;
	[dreg:$0x7] =	wrdreg s25;
	s25 =	simm.s32 $0x5A00  }
.LBB2_1:
0x15: {  	s14 =	rddreg [dreg:$0x4];
	s0 =	simm.s32 $0x3  }
0x16: {  	[tilespmem:s3], [sflag:$0x3] =	stream.linear.gather [hbm4b:s14+s3], $0x100, $0x38;
	[tilespmem:$0x10200] =	vst v63  }
0x17: {  	_ =	swait.ge [sflag:s0], $0x100  }
0x18: {  	s14 =	rddreg [dreg:$0x5];
	[sflag:s0] =	ssyncset.done $0x0  }
0x19: {  	s15 =	rddreg [dreg:$0x8];
	[sflag:s0] =	ssyncadd.s32 $0xFFFFFF00  }
0x1a: {  	[tilespmem:s15], [sflag:$0x3] =	stream.linear.gather [hbm4b:s14+s3], $0x100, $0x38;
	[tilespmem:$0x10200] =	vst v63  }
0x1b: {  	_ =	swait.ge [sflag:s0], $0x100  }
0x1c: {  	[sflag:s0] =	ssyncset.done $0x0  }
0x1d: {  	[sflag:s0] =	ssyncadd.s32 $0xFFFFFF00  }
0x1e: {  	v3 =	vld [tilespmem:$0x0];
	_ =	sdelay $0x4  }
0x1f: {  	v4 =	vshll.u32 v3, $0x1  }
0x20: {  	v3 =	vand.u32 $0x7, v3;
	v4 =	vand.u32 $0xFFFFFFF0, v4  }
0x21: {  	v3 =	vor.u32 v3, v4  }
0x22: {  	v4 =	vperm.xlane v3, v0;
	_ =	sdelay $0x1  }
0x23: {  	v3 =	vperm.xlane v3, v2;
	v4 =	vadd.s32 v1, v4;
	_ =	sdelay $0x1  }
0x24: {  	v3 =	vadd.s32 v1, v3;
	_ =	sdelay $0x1  }
0x25: {  	s15 =	simm.s32 $0x200  }
0x26: {  	[tilespmem:s15], [sflag:$0x1] =	stream.indirect_vreg.gather [hbm4b:s1+s3], $0x80, v4, vm0, $0xb8;
	[tilespmem:$0x10200] =	vst v63  }
0x27: {  	s15 =	simm.s32 $0xA00  }
0x28: {  	[tilespmem:s15], [sflag:$0x1] =	stream.indirect_vreg.gather [hbm4b:s1+s3], $0x80, v3, vm0, $0xb8;
	[tilespmem:$0x10200] =	vst v63  }
0x29: {  	v3 =	vld [tilespmem:$0x10];
	_ =	sdelay $0x4  }
0x2a: {  	v33 =	vshll.u32 v3, $0x1  }
0x2b: {  	v3 =	vand.u32 $0x7, v3;
	v4 =	vand.u32 $0xFFFFFFF0, v33  }
0x2c: {  	v3 =	vor.u32 v3, v4  }
0x2d: {  	v4 =	vperm.xlane v3, v0;
	_ =	sdelay $0x1  }
0x2e: {  	v3 =	vperm.xlane v3, v2;
	v4 =	vadd.s32 v1, v4;
	_ =	sdelay $0x1  }
0x2f: {  	v3 =	vadd.s32 v1, v3;
	_ =	sdelay $0x2  }
0x30: {  	[tilespmem:s16], [sflag:$0x1] =	stream.indirect_vreg.gather [hbm4b:s1+s3], $0x80, v4, vm0, $0xb8;
	[tilespmem:$0x10200] =	vst v63  }
0x31: {  	_ = 	snop  }
0x32: {  	[tilespmem:s17], [sflag:$0x1] =	stream.indirect_vreg.gather [hbm4b:s1+s3], $0x80, v3, vm0, $0xb8;
	[tilespmem:$0x10200] =	vst v63  }
0x33: {  	v3 =	vld [tilespmem:$0x20];
	_ =	sdelay $0x4  }
0x34: {  	v34 =	vshll.u32 v3, $0x1  }
0x35: {  	v3 =	vand.u32 $0x7, v3;
	v4 =	vand.u32 $0xFFFFFFF0, v34  }
0x36: {  	v3 =	vor.u32 v3, v4  }
0x37: {  	v4 =	vperm.xlane v3, v0;
	_ =	sdelay $0x1  }
0x38: {  	v3 =	vperm.xlane v3, v2;
	v4 =	vadd.s32 v1, v4;
	_ =	sdelay $0x1  }
0x39: {  	v3 =	vadd.s32 v1, v3;
	_ =	sdelay $0x2  }
0x3a: {  	[tilespmem:s18], [sflag:$0x1] =	stream.indirect_vreg.gather [hbm4b:s1+s3], $0x80, v4, vm0, $0xb8;
	[tilespmem:$0x10200] =	vst v63  }
0x3b: {  	_ = 	snop  }
0x3c: {  	[tilespmem:s19], [sflag:$0x1] =	stream.indirect_vreg.gather [hbm4b:s1+s3], $0x80, v3, vm0, $0xb8;
	[tilespmem:$0x10200] =	vst v63  }
0x3d: {  	v3 =	vld [tilespmem:$0x30];
	_ =	sdelay $0x4  }
0x3e: {  	v35 =	vshll.u32 v3, $0x1  }
0x3f: {  	v3 =	vand.u32 $0x7, v3;
	v4 =	vand.u32 $0xFFFFFFF0, v35  }
0x40: {  	v3 =	vor.u32 v3, v4  }
0x41: {  	v4 =	vperm.xlane v3, v0;
	_ =	sdelay $0x1  }
0x42: {  	v3 =	vperm.xlane v3, v2;
	v4 =	vadd.s32 v1, v4;
	_ =	sdelay $0x1  }
0x43: {  	v3 =	vadd.s32 v1, v3;
	_ =	sdelay $0x2  }
0x44: {  	[tilespmem:s20], [sflag:$0x1] =	stream.indirect_vreg.gather [hbm4b:s1+s3], $0x80, v4, vm0, $0xb8;
	[tilespmem:$0x10200] =	vst v63  }
0x45: {  	_ = 	snop  }
0x46: {  	[tilespmem:s21], [sflag:$0x1] =	stream.indirect_vreg.gather [hbm4b:s1+s3], $0x80, v3, vm0, $0xb8;
	[tilespmem:$0x10200] =	vst v63  }
0x47: {  	v3 =	vld [tilespmem:$0x40];
	_ =	sdelay $0x4  }
0x48: {  	v36 =	vshll.u32 v3, $0x1  }
0x49: {  	v3 =	vand.u32 $0x7, v3;
	v4 =	vand.u32 $0xFFFFFFF0, v36  }
0x4a: {  	v3 =	vor.u32 v3, v4  }
0x4b: {  	v4 =	vperm.xlane v3, v0;
	_ =	sdelay $0x1  }
0x4c: {  	v3 =	vperm.xlane v3, v2;
	v4 =	vadd.s32 v1, v4;
	_ =	sdelay $0x1  }
0x4d: {  	v3 =	vadd.s32 v1, v3;
	_ =	sdelay $0x2  }
0x4e: {  	[tilespmem:s22], [sflag:$0x1] =	stream.indirect_vreg.gather [hbm4b:s1+s3], $0x80, v4, vm0, $0xb8;
	[tilespmem:$0x10200] =	vst v63  }
0x4f: {  	_ = 	snop  }
0x50: {  	[tilespmem:s23], [sflag:$0x1] =	stream.indirect_vreg.gather [hbm4b:s1+s3], $0x80, v3, vm0, $0xb8;
	[tilespmem:$0x10200] =	vst v63  }
0x51: {  	v3 =	vld [tilespmem:$0x50];
	_ =	sdelay $0x4  }
0x52: {  	v37 =	vshll.u32 v3, $0x1  }
0x53: {  	v3 =	vand.u32 $0x7, v3;
	v4 =	vand.u32 $0xFFFFFFF0, v37  }
0x54: {  	v3 =	vor.u32 v3, v4  }
0x55: {  	v4 =	vperm.xlane v3, v0;
	_ =	sdelay $0x1  }
0x56: {  	v3 =	vperm.xlane v3, v2;
	v4 =	vadd.s32 v1, v4;
	_ =	sdelay $0x1  }
0x57: {  	v3 =	vadd.s32 v1, v3;
	_ =	sdelay $0x2  }
0x58: {  	[tilespmem:s24], [sflag:$0x1] =	stream.indirect_vreg.gather [hbm4b:s1+s3], $0x80, v4, vm0, $0xb8;
	[tilespmem:$0x10200] =	vst v63  }
0x59: {  	_ = 	snop  }
0x5a: {  	[tilespmem:s25], [sflag:$0x1] =	stream.indirect_vreg.gather [hbm4b:s1+s3], $0x80, v3, vm0, $0xb8;
	[tilespmem:$0x10200] =	vst v63  }
0x5b: {  	v3 =	vld [tilespmem:$0x60];
	_ =	sdelay $0x4  }
0x5c: {  	v38 =	vshll.u32 v3, $0x1  }
0x5d: {  	v3 =	vand.u32 $0x7, v3;
	v4 =	vand.u32 $0xFFFFFFF0, v38  }
0x5e: {  	v3 =	vor.u32 v3, v4  }
0x5f: {  	v4 =	vperm.xlane v3, v0;
	_ =	sdelay $0x1  }
0x60: {  	v3 =	vperm.xlane v3, v2;
	v4 =	vadd.s32 v1, v4;
	_ =	sdelay $0x1  }
0x61: {  	v3 =	vadd.s32 v1, v3;
	_ =	sdelay $0x2  }
0x62: {  	[tilespmem:s26], [sflag:$0x1] =	stream.indirect_vreg.gather [hbm4b:s1+s3], $0x80, v4, vm0, $0xb8;
	[tilespmem:$0x10200] =	vst v63  }
0x63: {  	_ = 	snop  }
0x64: {  	[tilespmem:s28], [sflag:$0x1] =	stream.indirect_vreg.gather [hbm4b:s1+s3], $0x80, v3, vm0, $0xb8;
	[tilespmem:$0x10200] =	vst v63  }
0x65: {  	v3 =	vld [tilespmem:$0x70];
	_ =	sdelay $0x4  }
0x66: {  	v39 =	vshll.u32 v3, $0x1  }
0x67: {  	v3 =	vand.u32 $0x7, v3;
	v4 =	vand.u32 $0xFFFFFFF0, v39  }
0x68: {  	v3 =	vor.u32 v3, v4  }
0x69: {  	v4 =	vperm.xlane v3, v0;
	_ =	sdelay $0x1  }
0x6a: {  	v3 =	vperm.xlane v3, v2;
	v4 =	vadd.s32 v1, v4;
	_ =	sdelay $0x1  }
0x6b: {  	v3 =	vadd.s32 v1, v3;
	_ =	sdelay $0x2  }
0x6c: {  	[tilespmem:s29], [sflag:$0x1] =	stream.indirect_vreg.gather [hbm4b:s1+s3], $0x80, v4, vm0, $0xb8;
	[tilespmem:$0x10200] =	vst v63  }
0x6d: {  	_ = 	snop  }
0x6e: {  	[tilespmem:s30], [sflag:$0x1] =	stream.indirect_vreg.gather [hbm4b:s1+s3], $0x80, v3, vm0, $0xb8;
	[tilespmem:$0x10200] =	vst v63  }
0x6f: {  	v3 =	vld [tilespmem:$0x80];
	_ =	sdelay $0x4  }
0x70: {  	v40 =	vshll.u32 v3, $0x1  }
0x71: {  	v3 =	vand.u32 $0x7, v3;
	v4 =	vand.u32 $0xFFFFFFF0, v40  }
0x72: {  	v3 =	vor.u32 v3, v4  }
0x73: {  	v4 =	vperm.xlane v3, v0;
	_ =	sdelay $0x1  }
0x74: {  	v3 =	vperm.xlane v3, v2;
	v4 =	vadd.s32 v1, v4;
	_ =	sdelay $0x1  }
0x75: {  	v3 =	vadd.s32 v1, v3;
	_ =	sdelay $0x2  }
0x76: {  	[tilespmem:s31], [sflag:$0x1] =	stream.indirect_vreg.gather [hbm4b:s1+s3], $0x80, v4, vm0, $0xb8;
	[tilespmem:$0x10200] =	vst v63  }
0x77: {  	s14 =	simm.s32 $0x8A00  }
0x78: {  	[tilespmem:s14], [sflag:$0x1] =	stream.indirect_vreg.gather [hbm4b:s1+s3], $0x80, v3, vm0, $0xb8;
	[tilespmem:$0x10200] =	vst v63  }
0x79: {  	v3 =	vld [tilespmem:$0x90];
	_ =	sdelay $0x4  }
0x7a: {  	v41 =	vshll.u32 v3, $0x1  }
0x7b: {  	v3 =	vand.u32 $0x7, v3;
	v4 =	vand.u32 $0xFFFFFFF0, v41  }
0x7c: {  	v3 =	vor.u32 v3, v4  }
0x7d: {  	v4 =	vperm.xlane v3, v0;
	_ =	sdelay $0x1  }
0x7e: {  	v3 =	vperm.xlane v3, v2;
	v4 =	vadd.s32 v1, v4;
	_ =	sdelay $0x1  }
0x7f: {  	v3 =	vadd.s32 v1, v3;
	_ =	sdelay $0x2  }
0x80: {  	[tilespmem:s2], [sflag:$0x1] =	stream.indirect_vreg.gather [hbm4b:s1+s3], $0x80, v4, vm0, $0xb8;
	[tilespmem:$0x10200] =	vst v63  }
0x81: {  	_ = 	snop  }
0x82: {  	[tilespmem:s7], [sflag:$0x1] =	stream.indirect_vreg.gather [hbm4b:s1+s3], $0x80, v3, vm0, $0xb8;
	[tilespmem:$0x10200] =	vst v63  }
0x83: {  	v3 =	vld [tilespmem:$0xA0];
	_ =	sdelay $0x4  }
0x84: {  	v42 =	vshll.u32 v3, $0x1  }
0x85: {  	v3 =	vand.u32 $0x7, v3;
	v4 =	vand.u32 $0xFFFFFFF0, v42  }
0x86: {  	v3 =	vor.u32 v3, v4  }
0x87: {  	v4 =	vperm.xlane v3, v0;
	_ =	sdelay $0x1  }
0x88: {  	v3 =	vperm.xlane v3, v2;
	v4 =	vadd.s32 v1, v4;
	_ =	sdelay $0x1  }
0x89: {  	v3 =	vadd.s32 v1, v3;
	_ =	sdelay $0x2  }
0x8a: {  	[tilespmem:s8], [sflag:$0x1] =	stream.indirect_vreg.gather [hbm4b:s1+s3], $0x80, v4, vm0, $0xb8;
	[tilespmem:$0x10200] =	vst v63  }
0x8b: {  	_ = 	snop  }
0x8c: {  	[tilespmem:s9], [sflag:$0x1] =	stream.indirect_vreg.gather [hbm4b:s1+s3], $0x80, v3, vm0, $0xb8;
	[tilespmem:$0x10200] =	vst v63  }
0x8d: {  	v3 =	vld [tilespmem:$0xB0];
	_ =	sdelay $0x4  }
0x8e: {  	v43 =	vshll.u32 v3, $0x1  }
0x8f: {  	v3 =	vand.u32 $0x7, v3;
	v4 =	vand.u32 $0xFFFFFFF0, v43  }
0x90: {  	v3 =	vor.u32 v3, v4  }
0x91: {  	v4 =	vperm.xlane v3, v0;
	_ =	sdelay $0x1  }
0x92: {  	v3 =	vperm.xlane v3, v2;
	v4 =	vadd.s32 v1, v4;
	_ =	sdelay $0x1  }
0x93: {  	v3 =	vadd.s32 v1, v3;
	_ =	sdelay $0x2  }
0x94: {  	[tilespmem:s10], [sflag:$0x1] =	stream.indirect_vreg.gather [hbm4b:s1+s3], $0x80, v4, vm0, $0xb8;
	[tilespmem:$0x10200] =	vst v63  }
0x95: {  	_ = 	snop  }
0x96: {  	[tilespmem:s11], [sflag:$0x1] =	stream.indirect_vreg.gather [hbm4b:s1+s3], $0x80, v3, vm0, $0xb8;
	[tilespmem:$0x10200] =	vst v63  }
0x97: {  	v3 =	vld [tilespmem:$0xC0];
	_ =	sdelay $0x4  }
0x98: {  	v44 =	vshll.u32 v3, $0x1  }
0x99: {  	v3 =	vand.u32 $0x7, v3;
	v4 =	vand.u32 $0xFFFFFFF0, v44  }
0x9a: {  	v3 =	vor.u32 v3, v4  }
0x9b: {  	v4 =	vperm.xlane v3, v0;
	_ =	sdelay $0x1  }
0x9c: {  	v3 =	vperm.xlane v3, v2;
	v4 =	vadd.s32 v1, v4;
	_ =	sdelay $0x1  }
0x9d: {  	v3 =	vadd.s32 v1, v3;
	_ =	sdelay $0x2  }
0x9e: {  	[tilespmem:s6], [sflag:$0x1] =	stream.indirect_vreg.gather [hbm4b:s1+s3], $0x80, v4, vm0, $0xb8;
	[tilespmem:$0x10200] =	vst v63  }
0x9f: {  	_ = 	snop  }
0xa0: {  	[tilespmem:s5], [sflag:$0x1] =	stream.indirect_vreg.gather [hbm4b:s1+s3], $0x80, v3, vm0, $0xb8;
	[tilespmem:$0x10200] =	vst v63  }
0xa1: {  	v3 =	vld [tilespmem:$0xD0];
	_ =	sdelay $0x4  }
0xa2: {  	v45 =	vshll.u32 v3, $0x1  }
0xa3: {  	v3 =	vand.u32 $0x7, v3;
	v4 =	vand.u32 $0xFFFFFFF0, v45  }
0xa4: {  	v3 =	vor.u32 v3, v4  }
0xa5: {  	v4 =	vperm.xlane v3, v0;
	_ =	sdelay $0x1  }
0xa6: {  	v3 =	vperm.xlane v3, v2;
	v4 =	vadd.s32 v1, v4;
	_ =	sdelay $0x1  }
0xa7: {  	v3 =	vadd.s32 v1, v3;
	_ =	sdelay $0x1  }
0xa8: {  	s14 =	simm.s32 $0xD200  }
0xa9: {  	[tilespmem:s14], [sflag:$0x1] =	stream.indirect_vreg.gather [hbm4b:s1+s3], $0x80, v4, vm0, $0xb8;
	[tilespmem:$0x10200] =	vst v63  }
0xaa: {  	s14 =	simm.s32 $0xDA00  }
0xab: {  	[tilespmem:s14], [sflag:$0x1] =	stream.indirect_vreg.gather [hbm4b:s1+s3], $0x80, v3, vm0, $0xb8;
	[tilespmem:$0x10200] =	vst v63  }
0xac: {  	v3 =	vld [tilespmem:$0xE0];
	_ =	sdelay $0x4  }
0xad: {  	v46 =	vshll.u32 v3, $0x1  }
0xae: {  	v3 =	vand.u32 $0x7, v3;
	v4 =	vand.u32 $0xFFFFFFF0, v46  }
0xaf: {  	v3 =	vor.u32 v3, v4  }
0xb0: {  	v4 =	vperm.xlane v3, v0;
	_ =	sdelay $0x1  }
0xb1: {  	v3 =	vperm.xlane v3, v2;
	v4 =	vadd.s32 v1, v4;
	_ =	sdelay $0x1  }
0xb2: {  	v3 =	vadd.s32 v1, v3;
	_ =	sdelay $0x1  }
0xb3: {  	s14 =	simm.s32 $0xE200  }
0xb4: {  	[tilespmem:s14], [sflag:$0x1] =	stream.indirect_vreg.gather [hbm4b:s1+s3], $0x80, v4, vm0, $0xb8;
	[tilespmem:$0x10200] =	vst v63  }
0xb5: {  	s14 =	simm.s32 $0xEA00  }
0xb6: {  	[tilespmem:s14], [sflag:$0x1] =	stream.indirect_vreg.gather [hbm4b:s1+s3], $0x80, v3, vm0, $0xb8;
	[tilespmem:$0x10200] =	vst v63  }
0xb7: {  	v3 =	vld [tilespmem:$0xF0];
	_ =	sdelay $0x4  }
0xb8: {  	v47 =	vshll.u32 v3, $0x1  }
0xb9: {  	v3 =	vand.u32 $0x7, v3;
	v4 =	vand.u32 $0xFFFFFFF0, v47  }
0xba: {  	v3 =	vor.u32 v3, v4  }
0xbb: {  	v4 =	vperm.xlane v3, v0;
	_ =	sdelay $0x1  }
0xbc: {  	v3 =	vperm.xlane v3, v2;
	v4 =	vadd.s32 v1, v4;
	_ =	sdelay $0x1  }
0xbd: {  	v3 =	vadd.s32 v1, v3;
	_ =	sdelay $0x1  }
0xbe: {  	s14 =	simm.s32 $0xF200  }
0xbf: {  	[tilespmem:s14], [sflag:$0x1] =	stream.indirect_vreg.gather [hbm4b:s1+s3], $0x80, v4, vm0, $0xb8;
	[tilespmem:$0x10200] =	vst v63  }
0xc0: {  	s14 =	simm.s32 $0xFA00  }
0xc1: {  	[tilespmem:s14], [sflag:$0x1] =	stream.indirect_vreg.gather [hbm4b:s1+s3], $0x80, v3, vm0, $0xb8;
	[tilespmem:$0x10200] =	vst v63  }
0xc2: {  	_ =	swait.ge [sflag:s12], $0x10000  }
0xc3: {  	[sflag:s12] =	ssyncset.done $0x0  }
0xc4: {  	s0 =	simm.s32 $0x200;
	s14 =	rddreg [dreg:$0x6];
	[sflag:s12] =	ssyncadd.s32 $0xFFFF0000  }
0xc5: {  	[hbm4b:s14+s3] =	stream.linear.scatter [tilespmem:s0], [sflag:$0x2], $0x10000, $0x38;
	[tilespmem:$0x10200] =	vst v63  }
0xc6: {  	_ =	swait.ge [sflag:s13], $0x10000  }
0xc7: {  	[sflag:s13] =	ssyncset.done $0x0  }
0xc8: {  	[sflag:s13] =	ssyncadd.s32 $0xFFFF0000  }
0xc9: {  	v3 =	vld [tilespmem:$0x100];
	_ =	sdelay $0x4  }
0xca: {  	v48 =	vshll.u32 v3, $0x1  }
0xcb: {  	v3 =	vand.u32 $0x7, v3;
	v4 =	vand.u32 $0xFFFFFFF0, v48  }
0xcc: {  	v3 =	vor.u32 v3, v4  }
0xcd: {  	v4 =	vperm.xlane v3, v0;
	_ =	sdelay $0x1  }
0xce: {  	v3 =	vperm.xlane v3, v2;
	v4 =	vadd.s32 v1, v4;
	_ =	sdelay $0x1  }
0xcf: {  	v3 =	vadd.s32 v1, v3;
	_ =	sdelay $0x2  }
0xd0: {  	[tilespmem:s0], [sflag:$0x1] =	stream.indirect_vreg.gather [hbm4b:s1+s3], $0x80, v4, vm0, $0xb8;
	[tilespmem:$0x10200] =	vst v63  }
0xd1: {  	_ = 	snop  }
0xd2: {  	[tilespmem:s15], [sflag:$0x1] =	stream.indirect_vreg.gather [hbm4b:s1+s3], $0x80, v3, vm0, $0xb8;
	[tilespmem:$0x10200] =	vst v63  }
0xd3: {  	v3 =	vld [tilespmem:$0x110];
	_ =	sdelay $0x4  }
0xd4: {  	v49 =	vshll.u32 v3, $0x1  }
0xd5: {  	v3 =	vand.u32 $0x7, v3;
	v4 =	vand.u32 $0xFFFFFFF0, v49  }
0xd6: {  	v3 =	vor.u32 v3, v4  }
0xd7: {  	v4 =	vperm.xlane v3, v0;
	_ =	sdelay $0x1  }
0xd8: {  	v3 =	vperm.xlane v3, v2;
	v4 =	vadd.s32 v1, v4;
	_ =	sdelay $0x1  }
0xd9: {  	v3 =	vadd.s32 v1, v3;
	_ =	sdelay $0x2  }
0xda: {  	[tilespmem:s16], [sflag:$0x1] =	stream.indirect_vreg.gather [hbm4b:s1+s3], $0x80, v4, vm0, $0xb8;
	[tilespmem:$0x10200] =	vst v63  }
0xdb: {  	_ = 	snop  }
0xdc: {  	[tilespmem:s17], [sflag:$0x1] =	stream.indirect_vreg.gather [hbm4b:s1+s3], $0x80, v3, vm0, $0xb8;
	[tilespmem:$0x10200] =	vst v63  }
0xdd: {  	v3 =	vld [tilespmem:$0x120];
	_ =	sdelay $0x4  }
0xde: {  	v50 =	vshll.u32 v3, $0x1  }
0xdf: {  	v3 =	vand.u32 $0x7, v3;
	v4 =	vand.u32 $0xFFFFFFF0, v50  }
0xe0: {  	v3 =	vor.u32 v3, v4  }
0xe1: {  	v4 =	vperm.xlane v3, v0;
	_ =	sdelay $0x1  }
0xe2: {  	v3 =	vperm.xlane v3, v2;
	v4 =	vadd.s32 v1, v4;
	_ =	sdelay $0x1  }
0xe3: {  	v3 =	vadd.s32 v1, v3;
	_ =	sdelay $0x2  }
0xe4: {  	[tilespmem:s18], [sflag:$0x1] =	stream.indirect_vreg.gather [hbm4b:s1+s3], $0x80, v4, vm0, $0xb8;
	[tilespmem:$0x10200] =	vst v63  }
0xe5: {  	_ = 	snop  }
0xe6: {  	[tilespmem:s19], [sflag:$0x1] =	stream.indirect_vreg.gather [hbm4b:s1+s3], $0x80, v3, vm0, $0xb8;
	[tilespmem:$0x10200] =	vst v63  }
0xe7: {  	v3 =	vld [tilespmem:$0x130];
	_ =	sdelay $0x4  }
0xe8: {  	v51 =	vshll.u32 v3, $0x1  }
0xe9: {  	v3 =	vand.u32 $0x7, v3;
	v4 =	vand.u32 $0xFFFFFFF0, v51  }
0xea: {  	v3 =	vor.u32 v3, v4  }
0xeb: {  	v4 =	vperm.xlane v3, v0;
	_ =	sdelay $0x1  }
0xec: {  	v3 =	vperm.xlane v3, v2;
	v4 =	vadd.s32 v1, v4;
	_ =	sdelay $0x1  }
0xed: {  	v3 =	vadd.s32 v1, v3;
	_ =	sdelay $0x2  }
0xee: {  	[tilespmem:s20], [sflag:$0x1] =	stream.indirect_vreg.gather [hbm4b:s1+s3], $0x80, v4, vm0, $0xb8;
	[tilespmem:$0x10200] =	vst v63  }
0xef: {  	_ = 	snop  }
0xf0: {  	[tilespmem:s21], [sflag:$0x1] =	stream.indirect_vreg.gather [hbm4b:s1+s3], $0x80, v3, vm0, $0xb8;
	[tilespmem:$0x10200] =	vst v63  }
0xf1: {  	v3 =	vld [tilespmem:$0x140];
	_ =	sdelay $0x4  }
0xf2: {  	v52 =	vshll.u32 v3, $0x1  }
0xf3: {  	v3 =	vand.u32 $0x7, v3;
	v4 =	vand.u32 $0xFFFFFFF0, v52  }
0xf4: {  	v3 =	vor.u32 v3, v4  }
0xf5: {  	v4 =	vperm.xlane v3, v0;
	_ =	sdelay $0x1  }
0xf6: {  	v3 =	vperm.xlane v3, v2;
	v4 =	vadd.s32 v1, v4;
	_ =	sdelay $0x1  }
0xf7: {  	v3 =	vadd.s32 v1, v3;
	_ =	sdelay $0x2  }
0xf8: {  	[tilespmem:s22], [sflag:$0x1] =	stream.indirect_vreg.gather [hbm4b:s1+s3], $0x80, v4, vm0, $0xb8;
	[tilespmem:$0x10200] =	vst v63  }
0xf9: {  	_ = 	snop  }
0xfa: {  	[tilespmem:s23], [sflag:$0x1] =	stream.indirect_vreg.gather [hbm4b:s1+s3], $0x80, v3, vm0, $0xb8;
	[tilespmem:$0x10200] =	vst v63  }
0xfb: {  	v3 =	vld [tilespmem:$0x150];
	_ =	sdelay $0x4  }
0xfc: {  	v53 =	vshll.u32 v3, $0x1  }
0xfd: {  	v3 =	vand.u32 $0x7, v3;
	v4 =	vand.u32 $0xFFFFFFF0, v53  }
0xfe: {  	v3 =	vor.u32 v3, v4  }
0xff: {  	v4 =	vperm.xlane v3, v0;
	_ =	sdelay $0x1  }
0x100: {  	v3 =	vperm.xlane v3, v2;
	v4 =	vadd.s32 v1, v4;
	_ =	sdelay $0x1  }
0x101: {  	v3 =	vadd.s32 v1, v3;
	_ =	sdelay $0x2  }
0x102: {  	[tilespmem:s24], [sflag:$0x1] =	stream.indirect_vreg.gather [hbm4b:s1+s3], $0x80, v4, vm0, $0xb8;
	[tilespmem:$0x10200] =	vst v63  }
0x103: {  	_ = 	snop  }
0x104: {  	[tilespmem:s25], [sflag:$0x1] =	stream.indirect_vreg.gather [hbm4b:s1+s3], $0x80, v3, vm0, $0xb8;
	[tilespmem:$0x10200] =	vst v63  }
0x105: {  	v3 =	vld [tilespmem:$0x160];
	_ =	sdelay $0x4  }
0x106: {  	v54 =	vshll.u32 v3, $0x1  }
0x107: {  	v3 =	vand.u32 $0x7, v3;
	v4 =	vand.u32 $0xFFFFFFF0, v54  }
0x108: {  	v3 =	vor.u32 v3, v4  }
0x109: {  	v4 =	vperm.xlane v3, v0;
	_ =	sdelay $0x1  }
0x10a: {  	v3 =	vperm.xlane v3, v2;
	v4 =	vadd.s32 v1, v4;
	_ =	sdelay $0x1  }
0x10b: {  	v3 =	vadd.s32 v1, v3;
	_ =	sdelay $0x2  }
0x10c: {  	[tilespmem:s26], [sflag:$0x1] =	stream.indirect_vreg.gather [hbm4b:s1+s3], $0x80, v4, vm0, $0xb8;
	[tilespmem:$0x10200] =	vst v63  }
0x10d: {  	_ = 	snop  }
0x10e: {  	[tilespmem:s28], [sflag:$0x1] =	stream.indirect_vreg.gather [hbm4b:s1+s3], $0x80, v3, vm0, $0xb8;
	[tilespmem:$0x10200] =	vst v63  }
0x10f: {  	v3 =	vld [tilespmem:$0x170];
	_ =	sdelay $0x4  }
0x110: {  	v55 =	vshll.u32 v3, $0x1  }
0x111: {  	v3 =	vand.u32 $0x7, v3;
	v4 =	vand.u32 $0xFFFFFFF0, v55  }
0x112: {  	v3 =	vor.u32 v3, v4  }
0x113: {  	v4 =	vperm.xlane v3, v0;
	_ =	sdelay $0x1  }
0x114: {  	v3 =	vperm.xlane v3, v2;
	v4 =	vadd.s32 v1, v4;
	_ =	sdelay $0x1  }
0x115: {  	v3 =	vadd.s32 v1, v3;
	_ =	sdelay $0x2  }
0x116: {  	[tilespmem:s29], [sflag:$0x1] =	stream.indirect_vreg.gather [hbm4b:s1+s3], $0x80, v4, vm0, $0xb8;
	[tilespmem:$0x10200] =	vst v63  }
0x117: {  	_ = 	snop  }
0x118: {  	[tilespmem:s30], [sflag:$0x1] =	stream.indirect_vreg.gather [hbm4b:s1+s3], $0x80, v3, vm0, $0xb8;
	[tilespmem:$0x10200] =	vst v63  }
0x119: {  	v3 =	vld [tilespmem:$0x180];
	_ =	sdelay $0x4  }
0x11a: {  	v56 =	vshll.u32 v3, $0x1  }
0x11b: {  	v3 =	vand.u32 $0x7, v3;
	v4 =	vand.u32 $0xFFFFFFF0, v56  }
0x11c: {  	v3 =	vor.u32 v3, v4  }
0x11d: {  	v4 =	vperm.xlane v3, v0;
	_ =	sdelay $0x1  }
0x11e: {  	v3 =	vperm.xlane v3, v2;
	v4 =	vadd.s32 v1, v4;
	_ =	sdelay $0x1  }
0x11f: {  	v3 =	vadd.s32 v1, v3;
	_ =	sdelay $0x2  }
0x120: {  	[tilespmem:s31], [sflag:$0x1] =	stream.indirect_vreg.gather [hbm4b:s1+s3], $0x80, v4, vm0, $0xb8;
	[tilespmem:$0x10200] =	vst v63  }
0x121: {  	s15 =	simm.s32 $0x8A00  }
0x122: {  	[tilespmem:s15], [sflag:$0x1] =	stream.indirect_vreg.gather [hbm4b:s1+s3], $0x80, v3, vm0, $0xb8;
	[tilespmem:$0x10200] =	vst v63  }
0x123: {  	v3 =	vld [tilespmem:$0x190];
	_ =	sdelay $0x4  }
0x124: {  	v57 =	vshll.u32 v3, $0x1  }
0x125: {  	v3 =	vand.u32 $0x7, v3;
	v4 =	vand.u32 $0xFFFFFFF0, v57  }
0x126: {  	v3 =	vor.u32 v3, v4  }
0x127: {  	v4 =	vperm.xlane v3, v0;
	_ =	sdelay $0x1  }
0x128: {  	v3 =	vperm.xlane v3, v2;
	v4 =	vadd.s32 v1, v4;
	_ =	sdelay $0x1  }
0x129: {  	v3 =	vadd.s32 v1, v3;
	_ =	sdelay $0x2  }
0x12a: {  	[tilespmem:s2], [sflag:$0x1] =	stream.indirect_vreg.gather [hbm4b:s1+s3], $0x80, v4, vm0, $0xb8;
	[tilespmem:$0x10200] =	vst v63  }
0x12b: {  	_ = 	snop  }
0x12c: {  	[tilespmem:s7], [sflag:$0x1] =	stream.indirect_vreg.gather [hbm4b:s1+s3], $0x80, v3, vm0, $0xb8;
	[tilespmem:$0x10200] =	vst v63  }
0x12d: {  	v3 =	vld [tilespmem:$0x1A0];
	_ =	sdelay $0x4  }
0x12e: {  	v58 =	vshll.u32 v3, $0x1  }
0x12f: {  	v3 =	vand.u32 $0x7, v3;
	v4 =	vand.u32 $0xFFFFFFF0, v58  }
0x130: {  	v3 =	vor.u32 v3, v4  }
0x131: {  	v4 =	vperm.xlane v3, v0;
	_ =	sdelay $0x1  }
0x132: {  	v3 =	vperm.xlane v3, v2;
	v4 =	vadd.s32 v1, v4;
	_ =	sdelay $0x1  }
0x133: {  	v3 =	vadd.s32 v1, v3;
	_ =	sdelay $0x2  }
0x134: {  	[tilespmem:s8], [sflag:$0x1] =	stream.indirect_vreg.gather [hbm4b:s1+s3], $0x80, v4, vm0, $0xb8;
	[tilespmem:$0x10200] =	vst v63  }
0x135: {  	_ = 	snop  }
0x136: {  	[tilespmem:s9], [sflag:$0x1] =	stream.indirect_vreg.gather [hbm4b:s1+s3], $0x80, v3, vm0, $0xb8;
	[tilespmem:$0x10200] =	vst v63  }
0x137: {  	v3 =	vld [tilespmem:$0x1B0];
	_ =	sdelay $0x4  }
0x138: {  	v59 =	vshll.u32 v3, $0x1  }
0x139: {  	v3 =	vand.u32 $0x7, v3;
	v4 =	vand.u32 $0xFFFFFFF0, v59  }
0x13a: {  	v3 =	vor.u32 v3, v4  }
0x13b: {  	v4 =	vperm.xlane v3, v0;
	_ =	sdelay $0x1  }
0x13c: {  	v3 =	vperm.xlane v3, v2;
	v4 =	vadd.s32 v1, v4;
	_ =	sdelay $0x1  }
0x13d: {  	v3 =	vadd.s32 v1, v3;
	_ =	sdelay $0x2  }
0x13e: {  	[tilespmem:s10], [sflag:$0x1] =	stream.indirect_vreg.gather [hbm4b:s1+s3], $0x80, v4, vm0, $0xb8;
	[tilespmem:$0x10200] =	vst v63  }
0x13f: {  	_ = 	snop  }
0x140: {  	[tilespmem:s11], [sflag:$0x1] =	stream.indirect_vreg.gather [hbm4b:s1+s3], $0x80, v3, vm0, $0xb8;
	[tilespmem:$0x10200] =	vst v63  }
0x141: {  	v3 =	vld [tilespmem:$0x1C0];
	_ =	sdelay $0x4  }
0x142: {  	v60 =	vshll.u32 v3, $0x1  }
0x143: {  	v3 =	vand.u32 $0x7, v3;
	v4 =	vand.u32 $0xFFFFFFF0, v60  }
0x144: {  	v3 =	vor.u32 v3, v4  }
0x145: {  	v4 =	vperm.xlane v3, v0;
	_ =	sdelay $0x1  }
0x146: {  	v3 =	vperm.xlane v3, v2;
	v4 =	vadd.s32 v1, v4;
	_ =	sdelay $0x1  }
0x147: {  	v3 =	vadd.s32 v1, v3;
	_ =	sdelay $0x2  }
0x148: {  	[tilespmem:s6], [sflag:$0x1] =	stream.indirect_vreg.gather [hbm4b:s1+s3], $0x80, v4, vm0, $0xb8;
	[tilespmem:$0x10200] =	vst v63  }
0x149: {  	_ = 	snop  }
0x14a: {  	[tilespmem:s5], [sflag:$0x1] =	stream.indirect_vreg.gather [hbm4b:s1+s3], $0x80, v3, vm0, $0xb8;
	[tilespmem:$0x10200] =	vst v63  }
0x14b: {  	v3 =	vld [tilespmem:$0x1D0];
	_ =	sdelay $0x4  }
0x14c: {  	v61 =	vshll.u32 v3, $0x1  }
0x14d: {  	v3 =	vand.u32 $0x7, v3;
	v4 =	vand.u32 $0xFFFFFFF0, v61  }
0x14e: {  	v3 =	vor.u32 v3, v4  }
0x14f: {  	v4 =	vperm.xlane v3, v0;
	_ =	sdelay $0x1  }
0x150: {  	v3 =	vperm.xlane v3, v2;
	v4 =	vadd.s32 v1, v4;
	_ =	sdelay $0x1  }
0x151: {  	v3 =	vadd.s32 v1, v3;
	_ =	sdelay $0x1  }
0x152: {  	s14 =	simm.s32 $0xD200  }
0x153: {  	[tilespmem:s14], [sflag:$0x1] =	stream.indirect_vreg.gather [hbm4b:s1+s3], $0x80, v4, vm0, $0xb8;
	[tilespmem:$0x10200] =	vst v63  }
0x154: {  	s15 =	simm.s32 $0xDA00  }
0x155: {  	[tilespmem:s15], [sflag:$0x1] =	stream.indirect_vreg.gather [hbm4b:s1+s3], $0x80, v3, vm0, $0xb8;
	[tilespmem:$0x10200] =	vst v63  }
0x156: {  	v3 =	vld [tilespmem:$0x1E0];
	_ =	sdelay $0x4  }
0x157: {  	v62 =	vshll.u32 v3, $0x1  }
0x158: {  	v3 =	vand.u32 $0x7, v3;
	v4 =	vand.u32 $0xFFFFFFF0, v62  }
0x159: {  	v3 =	vor.u32 v3, v4  }
0x15a: {  	v4 =	vperm.xlane v3, v0;
	_ =	sdelay $0x1  }
0x15b: {  	v3 =	vperm.xlane v3, v2;
	v4 =	vadd.s32 v1, v4;
	_ =	sdelay $0x1  }
0x15c: {  	v3 =	vadd.s32 v1, v3;
	_ =	sdelay $0x1  }
0x15d: {  	s14 =	simm.s32 $0xE200  }
0x15e: {  	[tilespmem:s14], [sflag:$0x1] =	stream.indirect_vreg.gather [hbm4b:s1+s3], $0x80, v4, vm0, $0xb8;
	[tilespmem:$0x10200] =	vst v63  }
0x15f: {  	s15 =	simm.s32 $0xEA00  }
0x160: {  	[tilespmem:s15], [sflag:$0x1] =	stream.indirect_vreg.gather [hbm4b:s1+s3], $0x80, v3, vm0, $0xb8;
	[tilespmem:$0x10200] =	vst v63  }
0x161: {  	v3 =	vld [tilespmem:$0x1F0];
	_ =	sdelay $0x4  }
0x162: {  	v63 =	vshll.u32 v3, $0x1  }
0x163: {  	v3 =	vand.u32 $0x7, v3;
	v4 =	vand.u32 $0xFFFFFFF0, v63  }
0x164: {  	v3 =	vor.u32 v3, v4  }
0x165: {  	v4 =	vperm.xlane v3, v0;
	_ =	sdelay $0x1  }
0x166: {  	v3 =	vperm.xlane v3, v2;
	v4 =	vadd.s32 v1, v4;
	_ =	sdelay $0x1  }
0x167: {  	v3 =	vadd.s32 v1, v3;
	_ =	sdelay $0x1  }
0x168: {  	s14 =	simm.s32 $0xF200  }
0x169: {  	[tilespmem:s14], [sflag:$0x1] =	stream.indirect_vreg.gather [hbm4b:s1+s3], $0x80, v4, vm0, $0xb8;
	[tilespmem:$0x10200] =	vst v63  }
0x16a: {  	s15 =	simm.s32 $0xFA00  }
0x16b: {  	[tilespmem:s15], [sflag:$0x1] =	stream.indirect_vreg.gather [hbm4b:s1+s3], $0x80, v3, vm0, $0xb8;
	[tilespmem:$0x10200] =	vst v63  }
0x16c: {  	_ =	swait.ge [sflag:s12], $0x10000  }
0x16d: {  	p0 =	sne.s32 s4, $0x1;
	s15 =	simm.s32 $0x200;
	[sflag:s12] =	ssyncset.done $0x0  }
.Ltmp0:
0x16e: {  	s0 =	rddreg [dreg:$0x7];
	[sflag:s12] =	ssyncadd.s32 $0xFFFF0000;
	(pc) =	sbr.rel @p0 .LBB2_1-.Ltmp0, $4  }
0x16f: {  	[hbm4b:s0+s3] =	stream.linear.scatter [tilespmem:s15], [sflag:$0x2], $0x10000, $0x38;
	[tilespmem:$0x10200] =	vst v63  }
0x170: {  	_ =	swait.ge [sflag:s13], $0x10000  }
0x171: {  	[sflag:s13] =	ssyncset.done $0x0  }
0x172: {  	s4 =	sadd.s32 $0xFFFFFFFF, s4;
	[sflag:s13] =	ssyncadd.s32 $0xFFFF0000  }
0x173: {  	_ =	sfence.sel $0x180000  }
0x174: {  	[bflag:$0x0] =	sbarrier.arrive $0xFFFF  }
0x175: {  	_ =	strace $0x90000047  }
0x176: {  	s0 =	stileid.u32;
	[bflag:$0x2] =	sbarrier.arrive $0xFFFF  }
0x177: {  	p0 =	sne.s32 s0, $0x0;
	s0 =	rddreg [dreg:$0x3]  }
0x178: {  	s0 =	sadd.s32 @!p0 $0x100000, s0  }
0x179: {  	[sflag:s0] =	ssyncadd.tile.s32 @!p0 $0x1;
	_ =	shalt  }
.Lfunc_end2:
_tile_overlayer_lowered:
.L_overlay_start_2:
0x17a: {  	(tag) =	ssettag $0x2  }
0x17b: {  	s0 =	rddreg [dreg:$0x0];
	s2 =	stileid.u32  }
0x17c: {  	s1 =	rddreg [dreg:$0x1];
	p0 =	sne.s32 s2, $0x0  }
0x17d: {  	s3 =	rddreg [dreg:$0x2];
	[bflag:$0x3] =	sbarrier.arrive $0xFFFF;
	s2 =	simm.s32 @!p0 $0x1C03  }
0x17e: {  	[timem:s3], [sflag:s2] =	dma.local @!p0 [hbm:s0], s1  }
0x17f: {  	s0 =	simm.s32 @!p0 $0x3  }
0x180: {  	_ =	swait.ge @!p0 [sflag:s0], s1  }
0x181: {  	s1 =	ssub.s32 @!p0 $0x0, s1;
	[sflag:s0] =	ssyncset.done @!p0 $0x0  }
0x182: {  	[sflag:s0] =	ssyncadd.s32 @!p0 s1  }
0x183: {  	[bflag:$0x3] =	sbarrier.arrive $0xFFFF  }
0x184: {  	_ =	shalt  }

</sc_bundles>
